<compile_context>
chip_gen: v7x
topology: tpu7x:2x2x1
jax: 0.10.2.dev20260603
libtpu: 0.0.44.dev20260713+nightly
codegen_flags: <defaults>
</compile_context>

<pallas_src>
import functools

import jax
import jax.numpy as jnp
from jax import lax
from jax.experimental import pallas as pl
from jax.experimental.pallas import tpu as pltpu
from jax.experimental.pallas import tpu_sc as plsc

_LANES = 16
_IDX_CHUNK = 128


@functools.lru_cache(maxsize=None)
def _make_sc_partials(batch, feat, num_classes):
    info = plsc.get_sparse_core_info()
    nw = info.num_cores * info.num_subcores
    assert batch % nw == 0
    b_per_w = batch // nw
    assert b_per_w % _IDX_CHUNK == 0 and feat % _LANES == 0
    n_chunks = b_per_w // _IDX_CHUNK
    mesh = plsc.VectorSubcoreMesh(core_axis_name="c", subcore_axis_name="s")

    @functools.partial(
        pl.kernel,
        out_type=jax.ShapeDtypeStruct((nw, _LANES), jnp.float32),
        mesh=mesh,
        scratch_types=[
            pltpu.VMEM((b_per_w,), jnp.int32),
            pltpu.VMEM((b_per_w, feat), jnp.float32),
            pltpu.VMEM((b_per_w, feat), jnp.float32),
            pltpu.VMEM((_LANES,), jnp.float32),
            pltpu.SemaphoreType.DMA,
        ],
        compiler_params=pltpu.CompilerParams(use_tc_tiling_on_sc=False),
    )
    def sc_partials(x_hbm, labels_hbm, centers_hbm, out_hbm,
                    idx_v, rows_v, x_v, acc_v, sem):
        wid = lax.axis_index("s") * info.num_cores + lax.axis_index("c")
        base = wid * b_per_w
        pltpu.sync_copy(labels_hbm.at[pl.ds(base, b_per_w)], idx_v)
        gathers = []
        for j in range(n_chunks):
            sl = pl.ds(j * _IDX_CHUNK, _IDX_CHUNK)
            gathers.append(
                pltpu.async_copy(centers_hbm.at[idx_v.at[sl]], rows_v.at[sl], sem))
        pltpu.sync_copy(x_hbm.at[pl.ds(base, b_per_w)], x_v)
        for g in gathers:
            g.wait()

        def body(r, acc):
            for c in range(feat // _LANES):
                sl = pl.ds(c * _LANES, _LANES)
                d = rows_v[r, sl] - x_v[r, sl]
                acc = acc + d * d
            return acc

        acc = lax.fori_loop(0, b_per_w, body, jnp.zeros((_LANES,), jnp.float32))
        acc_v[...] = acc
        pltpu.sync_copy(acc_v, out_hbm.at[wid])

    return sc_partials


def kernel(x, labels, centers, lr):
    batch, feat = x.shape
    partials = _make_sc_partials(batch, feat, centers.shape[0])(
        x, labels.astype(jnp.int32), centers)
    return jnp.sum(partials) / 2.0 / batch

# --- scband reference (transcript-rebuilt; emitter-appended) ---
"""Pipeline reference for scband-center-loss-31688268710019 (READ-ONLY COPY).

The authoritative reference and input builder live on the scoring server;
editing this copy changes nothing except your own understanding.
"""

import jax, jax.numpy as jnp
import numpy as np


def setup_inputs(seed: int = 0) -> dict:
    key = jax.random.key(seed)
    k1, k2, k3 = jax.random.split(key, 3)
    num_classes = 100000
    feat_dim = 64
    batch = 16384
    x = jax.random.normal(k1, (batch, feat_dim), dtype=jnp.float32)
    labels = jax.random.randint(k2, (batch,), 0, num_classes, dtype=jnp.int64)
    centers = jax.random.normal(k3, (num_classes, feat_dim), dtype=jnp.float32)
    lr = jnp.array([0.1], dtype=jnp.float32)
    return {"x": x, "labels": labels, "centers": centers, "lr": lr}


def reference(x, labels, centers, lr):
    batch_size = x.shape[0]
    labels = labels.astype(jnp.int32)
    # gather class centers for each sample
    center_batch = jnp.take(centers, labels, axis=0)
    diff = center_batch - x
    loss = jnp.sum((x - center_batch) ** 2) / 2.0 / batch_size
    # replicate the in-place center update side effect from the torch forward
    counts = jnp.ones((centers.shape[0],), dtype=centers.dtype).at[labels].add(
        jnp.ones((labels.shape[0],), dtype=centers.dtype))
    grad_centers = jnp.zeros_like(centers).at[labels].add(diff)
    grad_centers = grad_centers / counts[:, None]
    new_centers = centers - lr * grad_centers
    # torch forward returns only the scalar loss; new_centers is a parameter side-effect
    del new_centers
    return loss

if __name__ == "__main__":
    import jax
    _d = setup_inputs()
    print(jax.jit(kernel)(*tuple(_d.values())))

</pallas_src>

<mosaic_0001>
#map = affine_map<(d0, d1) -> (0, 0)>
#map1 = affine_map<(d0, d1) -> (0)>
module attributes {stable_mosaic.version = 14 : i64} {
  func.func @sc_partials(%arg0: i32, %arg1: i32, %arg2: memref<16384x64xf32, #tpu.memory_space<hbm>>, %arg3: memref<16384xi32, #tpu.memory_space<hbm>>, %arg4: memref<100000x64xf32, #tpu.memory_space<hbm>>, %arg5: memref<32x16xf32, #tpu.memory_space<hbm>>, %arg6: memref<512xi32, #tpu.memory_space<vmem>>, %arg7: memref<512x64xf32, #tpu.memory_space<vmem>>, %arg8: memref<512x64xf32, #tpu.memory_space<vmem>>, %arg9: memref<16xf32, #tpu.memory_space<vmem>>, %arg10: memref<!tpu.dma_semaphore, #tpu.memory_space<semaphore_mem>>) attributes {dimension_semantics = [#tpu.dimension_semantics<core_parallel>, #tpu.dimension_semantics<subcore_parallel>], iteration_bounds = array<i64: 2, 16>, scalar_prefetch = 0 : i64, scratch_operands = 5 : i64, tpu.core_type = #tpu.core_type<sc_vector_subcore>, window_params = [{transform_indices = #map}, {transform_indices = #map1}, {transform_indices = #map}, {transform_indices = #map}]} {
    %mul3A = arith.constant 2 : i32
    %mul3A_0 = arith.muli %arg1, %mul3A : i32
    %add3A = arith.addi %mul3A_0, %arg0 : i32
    %mul3A_1 = arith.constant 512 : i32
    %mul3A_2 = arith.muli %add3A, %mul3A_1 : i32
    "tpu.region"() ({
      %run_scoped3A = tpu.sem_alloc : memref<!tpu.dma_semaphore, #tpu.memory_space<semaphore_mem>>
      %dma_start3A_74 = tpu.memref_slice %arg3[%mul3A_2] : memref<16384xi32, #tpu.memory_space<hbm>> -> memref<512xi32, #tpu.memory_space<hbm>>
      %dma_start3A_75 = tpu.memref_slice %arg3[%mul3A_2] : memref<16384xi32, #tpu.memory_space<hbm>> -> memref<512xi32, #tpu.memory_space<hbm>>
      tpu.enqueue_dma source(%dma_start3A_75 : memref<512xi32, #tpu.memory_space<hbm>>) target(%arg6 : memref<512xi32, #tpu.memory_space<vmem>>) target_semaphore(%run_scoped3A : memref<!tpu.dma_semaphore, #tpu.memory_space<semaphore_mem>>)
      %dma_wait3A_76 = tpu.memref_slice %arg3[%mul3A_2] : memref<16384xi32, #tpu.memory_space<hbm>> -> memref<512xi32, #tpu.memory_space<hbm>>
      %dma_wait3A_77 = tpu.memref_slice %arg3[%mul3A_2] : memref<16384xi32, #tpu.memory_space<hbm>> -> memref<512xi32, #tpu.memory_space<hbm>>
      tpu.wait_dma2 semaphore(%run_scoped3A : memref<!tpu.dma_semaphore, #tpu.memory_space<semaphore_mem>>) src(%dma_wait3A_77 : memref<512xi32, #tpu.memory_space<hbm>>) dst(%arg6 : memref<512xi32, #tpu.memory_space<vmem>>)
      tpu.yield
    }) : () -> ()
    %dma_start3A = arith.constant 0 : i32
    %dma_start3A_3 = arith.constant 0 : i32
    %dma_start3A_4 = tpu.memref_slice %arg7[%dma_start3A, %dma_start3A_3] : memref<512x64xf32, #tpu.memory_space<vmem>> -> memref<128x64xf32, #tpu.memory_space<vmem>>
    %dma_start3A_5 = arith.constant 0 : i32
    %dma_start3A_6 = tpu.memref_slice %arg6[%dma_start3A_5] : memref<512xi32, #tpu.memory_space<vmem>> -> memref<128xi32, #tpu.memory_space<vmem>>
    %dma_start3A_7 = arith.constant 0 : i32
    %dma_start3A_8 = arith.constant 0 : i32
    %dma_start3A_9 = tpu.memref_slice %arg4[%dma_start3A_7, %dma_start3A_8] : memref<100000x64xf32, #tpu.memory_space<hbm>> -> memref<100000x64xf32, #tpu.memory_space<hbm>>
    tpu.enqueue_indirect_dma source(%dma_start3A_9 : memref<100000x64xf32, #tpu.memory_space<hbm>>) target(%dma_start3A_4 : memref<128x64xf32, #tpu.memory_space<vmem>>) offsets(%dma_start3A_6 : memref<128xi32, #tpu.memory_space<vmem>>) semaphore(%arg10 : memref<!tpu.dma_semaphore, #tpu.memory_space<semaphore_mem>>)
    %dma_start3A_10 = arith.constant 128 : i32
    %dma_start3A_11 = arith.constant 0 : i32
    %dma_start3A_12 = tpu.memref_slice %arg7[%dma_start3A_10, %dma_start3A_11] : memref<512x64xf32, #tpu.memory_space<vmem>> -> memref<128x64xf32, #tpu.memory_space<vmem>>
    %dma_start3A_13 = arith.constant 128 : i32
    %dma_start3A_14 = tpu.memref_slice %arg6[%dma_start3A_13] : memref<512xi32, #tpu.memory_space<vmem>> -> memref<128xi32, #tpu.memory_space<vmem>>
    %dma_start3A_15 = arith.constant 0 : i32
    %dma_start3A_16 = arith.constant 0 : i32
    %dma_start3A_17 = tpu.memref_slice %arg4[%dma_start3A_15, %dma_start3A_16] : memref<100000x64xf32, #tpu.memory_space<hbm>> -> memref<100000x64xf32, #tpu.memory_space<hbm>>
    tpu.enqueue_indirect_dma source(%dma_start3A_17 : memref<100000x64xf32, #tpu.memory_space<hbm>>) target(%dma_start3A_12 : memref<128x64xf32, #tpu.memory_space<vmem>>) offsets(%dma_start3A_14 : memref<128xi32, #tpu.memory_space<vmem>>) semaphore(%arg10 : memref<!tpu.dma_semaphore, #tpu.memory_space<semaphore_mem>>)
    %dma_start3A_18 = arith.constant 256 : i32
    %dma_start3A_19 = arith.constant 0 : i32
    %dma_start3A_20 = tpu.memref_slice %arg7[%dma_start3A_18, %dma_start3A_19] : memref<512x64xf32, #tpu.memory_space<vmem>> -> memref<128x64xf32, #tpu.memory_space<vmem>>
    %dma_start3A_21 = arith.constant 256 : i32
    %dma_start3A_22 = tpu.memref_slice %arg6[%dma_start3A_21] : memref<512xi32, #tpu.memory_space<vmem>> -> memref<128xi32, #tpu.memory_space<vmem>>
    %dma_start3A_23 = arith.constant 0 : i32
    %dma_start3A_24 = arith.constant 0 : i32
    %dma_start3A_25 = tpu.memref_slice %arg4[%dma_start3A_23, %dma_start3A_24] : memref<100000x64xf32, #tpu.memory_space<hbm>> -> memref<100000x64xf32, #tpu.memory_space<hbm>>
    tpu.enqueue_indirect_dma source(%dma_start3A_25 : memref<100000x64xf32, #tpu.memory_space<hbm>>) target(%dma_start3A_20 : memref<128x64xf32, #tpu.memory_space<vmem>>) offsets(%dma_start3A_22 : memref<128xi32, #tpu.memory_space<vmem>>) semaphore(%arg10 : memref<!tpu.dma_semaphore, #tpu.memory_space<semaphore_mem>>)
    %dma_start3A_26 = arith.constant 384 : i32
    %dma_start3A_27 = arith.constant 0 : i32
    %dma_start3A_28 = tpu.memref_slice %arg7[%dma_start3A_26, %dma_start3A_27] : memref<512x64xf32, #tpu.memory_space<vmem>> -> memref<128x64xf32, #tpu.memory_space<vmem>>
    %dma_start3A_29 = arith.constant 384 : i32
    %dma_start3A_30 = tpu.memref_slice %arg6[%dma_start3A_29] : memref<512xi32, #tpu.memory_space<vmem>> -> memref<128xi32, #tpu.memory_space<vmem>>
    %dma_start3A_31 = arith.constant 0 : i32
    %dma_start3A_32 = arith.constant 0 : i32
    %dma_start3A_33 = tpu.memref_slice %arg4[%dma_start3A_31, %dma_start3A_32] : memref<100000x64xf32, #tpu.memory_space<hbm>> -> memref<100000x64xf32, #tpu.memory_space<hbm>>
    tpu.enqueue_indirect_dma source(%dma_start3A_33 : memref<100000x64xf32, #tpu.memory_space<hbm>>) target(%dma_start3A_28 : memref<128x64xf32, #tpu.memory_space<vmem>>) offsets(%dma_start3A_30 : memref<128xi32, #tpu.memory_space<vmem>>) semaphore(%arg10 : memref<!tpu.dma_semaphore, #tpu.memory_space<semaphore_mem>>)
    "tpu.region"() ({
      %run_scoped3A = tpu.sem_alloc : memref<!tpu.dma_semaphore, #tpu.memory_space<semaphore_mem>>
      %dma_start3A_74 = arith.constant 0 : i32
      %dma_start3A_75 = tpu.memref_slice %arg2[%mul3A_2, %dma_start3A_74] : memref<16384x64xf32, #tpu.memory_space<hbm>> -> memref<512x64xf32, #tpu.memory_space<hbm>>
      %dma_start3A_76 = arith.constant 0 : i32
      %dma_start3A_77 = tpu.memref_slice %arg2[%mul3A_2, %dma_start3A_76] : memref<16384x64xf32, #tpu.memory_space<hbm>> -> memref<512x64xf32, #tpu.memory_space<hbm>>
      tpu.enqueue_dma source(%dma_start3A_77 : memref<512x64xf32, #tpu.memory_space<hbm>>) target(%arg8 : memref<512x64xf32, #tpu.memory_space<vmem>>) target_semaphore(%run_scoped3A : memref<!tpu.dma_semaphore, #tpu.memory_space<semaphore_mem>>)
      %dma_wait3A_78 = arith.constant 0 : i32
      %dma_wait3A_79 = tpu.memref_slice %arg2[%mul3A_2, %dma_wait3A_78] : memref<16384x64xf32, #tpu.memory_space<hbm>> -> memref<512x64xf32, #tpu.memory_space<hbm>>
      %dma_wait3A_80 = arith.constant 0 : i32
      %dma_wait3A_81 = tpu.memref_slice %arg2[%mul3A_2, %dma_wait3A_80] : memref<16384x64xf32, #tpu.memory_space<hbm>> -> memref<512x64xf32, #tpu.memory_space<hbm>>
      tpu.wait_dma2 semaphore(%run_scoped3A : memref<!tpu.dma_semaphore, #tpu.memory_space<semaphore_mem>>) src(%dma_wait3A_81 : memref<512x64xf32, #tpu.memory_space<hbm>>) dst(%arg8 : memref<512x64xf32, #tpu.memory_space<vmem>>)
      tpu.yield
    }) : () -> ()
    %dma_wait3A = arith.constant 0 : i32
    %dma_wait3A_34 = arith.constant 0 : i32
    %dma_wait3A_35 = tpu.memref_slice %arg7[%dma_wait3A, %dma_wait3A_34] : memref<512x64xf32, #tpu.memory_space<vmem>> -> memref<128x64xf32, #tpu.memory_space<vmem>>
    %dma_wait3A_36 = arith.constant 0 : i32
    %dma_wait3A_37 = tpu.memref_slice %arg6[%dma_wait3A_36] : memref<512xi32, #tpu.memory_space<vmem>> -> memref<128xi32, #tpu.memory_space<vmem>>
    %dma_wait3A_38 = arith.constant 0 : i32
    %dma_wait3A_39 = arith.constant 0 : i32
    %dma_wait3A_40 = tpu.memref_slice %arg4[%dma_wait3A_38, %dma_wait3A_39] : memref<100000x64xf32, #tpu.memory_space<hbm>> -> memref<100000x64xf32, #tpu.memory_space<hbm>>
    tpu.wait_indirect_dma semaphore(%arg10 : memref<!tpu.dma_semaphore, #tpu.memory_space<semaphore_mem>>) src(%dma_wait3A_40 : memref<100000x64xf32, #tpu.memory_space<hbm>>) dst(%dma_wait3A_35 : memref<128x64xf32, #tpu.memory_space<vmem>>)
    %dma_wait3A_41 = arith.constant 128 : i32
    %dma_wait3A_42 = arith.constant 0 : i32
    %dma_wait3A_43 = tpu.memref_slice %arg7[%dma_wait3A_41, %dma_wait3A_42] : memref<512x64xf32, #tpu.memory_space<vmem>> -> memref<128x64xf32, #tpu.memory_space<vmem>>
    %dma_wait3A_44 = arith.constant 128 : i32
    %dma_wait3A_45 = tpu.memref_slice %arg6[%dma_wait3A_44] : memref<512xi32, #tpu.memory_space<vmem>> -> memref<128xi32, #tpu.memory_space<vmem>>
    %dma_wait3A_46 = arith.constant 0 : i32
    %dma_wait3A_47 = arith.constant 0 : i32
    %dma_wait3A_48 = tpu.memref_slice %arg4[%dma_wait3A_46, %dma_wait3A_47] : memref<100000x64xf32, #tpu.memory_space<hbm>> -> memref<100000x64xf32, #tpu.memory_space<hbm>>
    tpu.wait_indirect_dma semaphore(%arg10 : memref<!tpu.dma_semaphore, #tpu.memory_space<semaphore_mem>>) src(%dma_wait3A_48 : memref<100000x64xf32, #tpu.memory_space<hbm>>) dst(%dma_wait3A_43 : memref<128x64xf32, #tpu.memory_space<vmem>>)
    %dma_wait3A_49 = arith.constant 256 : i32
    %dma_wait3A_50 = arith.constant 0 : i32
    %dma_wait3A_51 = tpu.memref_slice %arg7[%dma_wait3A_49, %dma_wait3A_50] : memref<512x64xf32, #tpu.memory_space<vmem>> -> memref<128x64xf32, #tpu.memory_space<vmem>>
    %dma_wait3A_52 = arith.constant 256 : i32
    %dma_wait3A_53 = tpu.memref_slice %arg6[%dma_wait3A_52] : memref<512xi32, #tpu.memory_space<vmem>> -> memref<128xi32, #tpu.memory_space<vmem>>
    %dma_wait3A_54 = arith.constant 0 : i32
    %dma_wait3A_55 = arith.constant 0 : i32
    %dma_wait3A_56 = tpu.memref_slice %arg4[%dma_wait3A_54, %dma_wait3A_55] : memref<100000x64xf32, #tpu.memory_space<hbm>> -> memref<100000x64xf32, #tpu.memory_space<hbm>>
    tpu.wait_indirect_dma semaphore(%arg10 : memref<!tpu.dma_semaphore, #tpu.memory_space<semaphore_mem>>) src(%dma_wait3A_56 : memref<100000x64xf32, #tpu.memory_space<hbm>>) dst(%dma_wait3A_51 : memref<128x64xf32, #tpu.memory_space<vmem>>)
    %dma_wait3A_57 = arith.constant 384 : i32
    %dma_wait3A_58 = arith.constant 0 : i32
    %dma_wait3A_59 = tpu.memref_slice %arg7[%dma_wait3A_57, %dma_wait3A_58] : memref<512x64xf32, #tpu.memory_space<vmem>> -> memref<128x64xf32, #tpu.memory_space<vmem>>
    %dma_wait3A_60 = arith.constant 384 : i32
    %dma_wait3A_61 = tpu.memref_slice %arg6[%dma_wait3A_60] : memref<512xi32, #tpu.memory_space<vmem>> -> memref<128xi32, #tpu.memory_space<vmem>>
    %dma_wait3A_62 = arith.constant 0 : i32
    %dma_wait3A_63 = arith.constant 0 : i32
    %dma_wait3A_64 = tpu.memref_slice %arg4[%dma_wait3A_62, %dma_wait3A_63] : memref<100000x64xf32, #tpu.memory_space<hbm>> -> memref<100000x64xf32, #tpu.memory_space<hbm>>
    tpu.wait_indirect_dma semaphore(%arg10 : memref<!tpu.dma_semaphore, #tpu.memory_space<semaphore_mem>>) src(%dma_wait3A_64 : memref<100000x64xf32, #tpu.memory_space<hbm>>) dst(%dma_wait3A_59 : memref<128x64xf32, #tpu.memory_space<vmem>>)
    %broadcast_in_dim3A = arith.constant 0.000000e+00 : f32
    %broadcast_in_dim3A_65 = vector.broadcast %broadcast_in_dim3A : f32 to vector<16xf32>
    %scan3A = arith.constant 0 : i32
    %scan3A_66 = arith.constant 512 : i32
    %scan3A_67 = arith.addi %scan3A, %scan3A_66 : i32
    %scan3A_68 = arith.constant 1 : i32
    %scan3A_69 = scf.for %scan3A_74 = %scan3A to %scan3A_67 step %scan3A_68 iter_args(%scan3A_75 = %broadcast_in_dim3A_65) -> (vector<16xf32>)  : i32 {
      %get3A = arith.index_cast %scan3A_74 : i32 to index
      %get3A_76 = arith.constant 0 : index
      %get3A_77 = tpu.vector_load %arg7[%get3A, %get3A_76] {strides = array<i32>} : memref<512x64xf32, #tpu.memory_space<vmem>>, vector<1x16xf32>,
      %get3A_78 = vector.shape_cast %get3A_77 : vector<1x16xf32> to vector<16xf32>
      %get3A_79 = arith.index_cast %scan3A_74 : i32 to index
      %get3A_80 = arith.constant 0 : index
      %get3A_81 = tpu.vector_load %arg8[%get3A_79, %get3A_80] {strides = array<i32>} : memref<512x64xf32, #tpu.memory_space<vmem>>, vector<1x16xf32>,
      %get3A_82 = vector.shape_cast %get3A_81 : vector<1x16xf32> to vector<16xf32>
      %sub3A = arith.subf %get3A_78, %get3A_82 : vector<16xf32>
      %mul3A_83 = arith.mulf %sub3A, %sub3A : vector<16xf32>
      %add3A_84 = arith.addf %scan3A_75, %mul3A_83 : vector<16xf32>
      %get3A_85 = arith.index_cast %scan3A_74 : i32 to index
      %get3A_86 = arith.constant 16 : index
      %get3A_87 = tpu.vector_load %arg7[%get3A_85, %get3A_86] {strides = array<i32>} : memref<512x64xf32, #tpu.memory_space<vmem>>, vector<1x16xf32>,
      %get3A_88 = vector.shape_cast %get3A_87 : vector<1x16xf32> to vector<16xf32>
      %get3A_89 = arith.index_cast %scan3A_74 : i32 to index
      %get3A_90 = arith.constant 16 : index
      %get3A_91 = tpu.vector_load %arg8[%get3A_89, %get3A_90] {strides = array<i32>} : memref<512x64xf32, #tpu.memory_space<vmem>>, vector<1x16xf32>,
      %get3A_92 = vector.shape_cast %get3A_91 : vector<1x16xf32> to vector<16xf32>
      %sub3A_93 = arith.subf %get3A_88, %get3A_92 : vector<16xf32>
      %mul3A_94 = arith.mulf %sub3A_93, %sub3A_93 : vector<16xf32>
      %add3A_95 = arith.addf %add3A_84, %mul3A_94 : vector<16xf32>
      %get3A_96 = arith.index_cast %scan3A_74 : i32 to index
      %get3A_97 = arith.constant 32 : index
      %get3A_98 = tpu.vector_load %arg7[%get3A_96, %get3A_97] {strides = array<i32>} : memref<512x64xf32, #tpu.memory_space<vmem>>, vector<1x16xf32>,
      %get3A_99 = vector.shape_cast %get3A_98 : vector<1x16xf32> to vector<16xf32>
      %get3A_100 = arith.index_cast %scan3A_74 : i32 to index
      %get3A_101 = arith.constant 32 : index
      %get3A_102 = tpu.vector_load %arg8[%get3A_100, %get3A_101] {strides = array<i32>} : memref<512x64xf32, #tpu.memory_space<vmem>>, vector<1x16xf32>,
      %get3A_103 = vector.shape_cast %get3A_102 : vector<1x16xf32> to vector<16xf32>
      %sub3A_104 = arith.subf %get3A_99, %get3A_103 : vector<16xf32>
      %mul3A_105 = arith.mulf %sub3A_104, %sub3A_104 : vector<16xf32>
      %add3A_106 = arith.addf %add3A_95, %mul3A_105 : vector<16xf32>
      %get3A_107 = arith.index_cast %scan3A_74 : i32 to index
      %get3A_108 = arith.constant 48 : index
      %get3A_109 = tpu.vector_load %arg7[%get3A_107, %get3A_108] {strides = array<i32>} : memref<512x64xf32, #tpu.memory_space<vmem>>, vector<1x16xf32>,
      %get3A_110 = vector.shape_cast %get3A_109 : vector<1x16xf32> to vector<16xf32>
      %get3A_111 = arith.index_cast %scan3A_74 : i32 to index
      %get3A_112 = arith.constant 48 : index
      %get3A_113 = tpu.vector_load %arg8[%get3A_111, %get3A_112] {strides = array<i32>} : memref<512x64xf32, #tpu.memory_space<vmem>>, vector<1x16xf32>,
      %get3A_114 = vector.shape_cast %get3A_113 : vector<1x16xf32> to vector<16xf32>
      %sub3A_115 = arith.subf %get3A_110, %get3A_114 : vector<16xf32>
      %mul3A_116 = arith.mulf %sub3A_115, %sub3A_115 : vector<16xf32>
      %add3A_117 = arith.addf %add3A_106, %mul3A_116 : vector<16xf32>
      scf.yield %add3A_117 : vector<16xf32>
    }
    %scan3A_70 = arith.constant 512 : i32
    %swap3A = arith.constant 0 : index
    %swap3A_71 = tpu.vector_load %arg9[%swap3A] {strides = array<i32>} : memref<16xf32, #tpu.memory_space<vmem>>, vector<16xf32>,
    %swap3A_72 = vector.shape_cast %swap3A_71 : vector<16xf32> to vector<16xf32>
    %swap3A_73 = vector.shape_cast %scan3A_69 : vector<16xf32> to vector<16xf32>
    tpu.vector_store %arg9[%swap3A], %swap3A_73 {strides = array<i32>} : memref<16xf32, #tpu.memory_space<vmem>>, vector<16xf32>,
    "tpu.region"() ({
      %run_scoped3A = tpu.sem_alloc : memref<!tpu.dma_semaphore, #tpu.memory_space<semaphore_mem>>
      %dma_start3A_74 = arith.constant 0 : i32
      %dma_start3A_75 = tpu.memref_slice %arg5[%add3A, %dma_start3A_74] : memref<32x16xf32, #tpu.memory_space<hbm>> -> memref<1x16xf32, #tpu.memory_space<hbm>>
      %dma_start3A_76 = tpu.memref_squeeze %dma_start3A_75 : memref<1x16xf32, #tpu.memory_space<hbm>> -> memref<16xf32, #tpu.memory_space<hbm>>
      %dma_start3A_77 = arith.constant 0 : i32
      %dma_start3A_78 = tpu.memref_slice %arg5[%add3A, %dma_start3A_77] : memref<32x16xf32, #tpu.memory_space<hbm>> -> memref<1x16xf32, #tpu.memory_space<hbm>>
      %dma_start3A_79 = tpu.memref_squeeze %dma_start3A_78 : memref<1x16xf32, #tpu.memory_space<hbm>> -> memref<16xf32, #tpu.memory_space<hbm>>
      tpu.enqueue_dma source(%arg9 : memref<16xf32, #tpu.memory_space<vmem>>) target(%dma_start3A_79 : memref<16xf32, #tpu.memory_space<hbm>>) target_semaphore(%run_scoped3A : memref<!tpu.dma_semaphore, #tpu.memory_space<semaphore_mem>>)
      %dma_wait3A_80 = arith.constant 0 : i32
      %dma_wait3A_81 = tpu.memref_slice %arg5[%add3A, %dma_wait3A_80] : memref<32x16xf32, #tpu.memory_space<hbm>> -> memref<1x16xf32, #tpu.memory_space<hbm>>
      %dma_wait3A_82 = tpu.memref_squeeze %dma_wait3A_81 : memref<1x16xf32, #tpu.memory_space<hbm>> -> memref<16xf32, #tpu.memory_space<hbm>>
      %dma_wait3A_83 = arith.constant 0 : i32
      %dma_wait3A_84 = tpu.memref_slice %arg5[%add3A, %dma_wait3A_83] : memref<32x16xf32, #tpu.memory_space<hbm>> -> memref<1x16xf32, #tpu.memory_space<hbm>>
      %dma_wait3A_85 = tpu.memref_squeeze %dma_wait3A_84 : memref<1x16xf32, #tpu.memory_space<hbm>> -> memref<16xf32, #tpu.memory_space<hbm>>
      tpu.wait_dma2 semaphore(%run_scoped3A : memref<!tpu.dma_semaphore, #tpu.memory_space<semaphore_mem>>) src(%arg9 : memref<16xf32, #tpu.memory_space<vmem>>) dst(%dma_wait3A_85 : memref<16xf32, #tpu.memory_space<hbm>>)
      tpu.yield
    }) : () -> ()
    return
  }
}

</mosaic_0001>

<sc_bundles>
// kernel: kernel.3.cloned.1.call-start
scs
__scs_entry_jumppad:
0x0: {  	(pc) =	sbr.rel $0x88, $3  }
0x1: {  	(tag) =	ssettag $0x0;
	lr =	simm.s32 $0x1  }
0x2: {  	[smem:$0x3F9E] =	sst lr;
	_ =	strace $0xD0000000  }
0x3: {  	_ = 	snop  }
0x4: {  	_ = 	snop  }
0x5: {  	_ = 	snop  }
0x6: {  	_ = 	snop  }
0x7: {  	_ = 	snop  }
__scs_overlays_trampoline_lowered:
0x8: {  	[smem:$0x3FAD] =	sst s0  }
0x9: {  	[smem:$0x3FAE] =	sst s1  }
0xa: {  	[smem:$0x3FAF] =	sst s2  }
0xb: {  	[smem:$0x3FB0] =	sst s3  }
0xc: {  	[smem:$0x3FB1] =	sst s4  }
0xd: {  	[smem:$0x3FB2] =	sst s5  }
0xe: {  	[smem:$0x3FB3] =	sst s6  }
0xf: {  	[smem:$0x3FB4] =	sst s7  }
0x10: {  	[smem:$0x3FB5] =	sst s8  }
0x11: {  	[smem:$0x3FB6] =	sst s9;
	s0 =	simm.s32 @!p0 $0x0  }
0x12: {  	s1 =	sld [smem:$0x3F9C];
	s0 =	simm.s32 @p0 $0x1  }
0x13: {  	[smem:$0x3FB7] =	sst s0;
	s0 =	simm.s32 @!p1 $0x0  }
0x14: {  	s2 =	sld [smem:$0x3F9B];
	s0 =	simm.s32 @p1 $0x1  }
0x15: {  	[smem:$0x3FB8] =	sst s0;
	s0 =	simm.s32 @!p2 $0x0  }
0x16: {  	s3 =	sld [smem:$0x3FDB];
	s0 =	simm.s32 @p2 $0x1  }
0x17: {  	s4 =	simm.s32 $0x1BF5;
	[smem:$0x3FBA] =	sst s0  }
0x18: {  	s0 =	sld [smem:$0x3F9D];
	_ =	swait.ge [sflag:s4], $0x0  }
0x19: {  	s7 =	sld [smem:$0x3F9E]  }
0x1a: {  	s8 =	sadd.s32 $0xFFFFE003, lr  }
0x1b: {  	s9 =	sadd.s32 $0xFFFFFEF7, lr;
	s5 =	simm.s32 $0xFFFFFFFF;
	p2 =	slt.u32 s8, $0xFFFFF086  }
0x1c: {  	p1 =	slt.u32 s9, $0xF7A;
	s5 =	simm.s32 @!p2 $0x0  }
0x1d: {  	s5 =	simm.s32 @p1 $0x1;
	p0 =	seq.s32 s7, s2  }
0x1e: {  	s7 =	smul.u32 @!p0 $0xF7A, s2;
	p2 =	seq.s32 @!p0 s5, $0x0  }
0x1f: {  	s9 =	smul.u32 $0xF7A, s1;
	s8 =	simm.s32 @!p0 $0x1BF5;
	p2 =	por !p2, p0  }
0x20: {  	[sflag:s8] =	ssyncset.s32 @!p0 $0xFFFFF086;
	s6 =	sadd.s32 @!p0 s3, s7;
	s7 =	simm.s32 @!p0 $0x108  }
0x21: {  	s3 =	sadd.s32 s3, s9;
	s6 =	sadd.s32 @!p0 $0x88, s6;
	s7 =	simm.s32 @p2 $0x1082  }
0x22: {  	[simem:s7], [sflag:s8] =	dma.local @!p0 [hbm:s6], $0xF7A  }
0x23: {  	s9 =	sor.u32 $0xD0000000, s2;
	s6 =	simm.s32 $0x108;
	_ =	swait.ge @!p0 [sflag:s8], $0x0  }
0x24: {  	s3 =	sadd.s32 $0x88, s3;
	s6 =	simm.s32 @!p1 $0x1082;
	[sflag:s4] =	ssyncset.s32 $0xFFFFF086  }
0x25: {  	[simem:s6], [sflag:s4] =	dma.local [hbm:s3], $0xF7A  }
0x26: {  	[smem:$0x3F9E] =	sst s1;
	(tag) =	ssettag s2;
	_ =	strace s9  }
0x27: {  	s1 =	sld [smem:$0x3FAE]  }
0x28: {  	s2 =	sld [smem:$0x3FAF]  }
0x29: {  	s4 =	sld [smem:$0x3FB1]  }
0x2a: {  	p0 =	seq.s32 s5, $0x0;
	s5 =	sld [smem:$0x3FB2]  }
0x2b: {  	s6 =	sld [smem:$0x3FB3]  }
0x2c: {  	s7 =	sld [smem:$0x3FB4]  }
0x2d: {  	s3 =	simm.s32 $0x108;
	s8 =	sld [smem:$0x3FB5]  }
0x2e: {  	s3 =	simm.s32 @!p0 $0x1082;
	s9 =	sld [smem:$0x3FB6]  }
0x2f: {  	lr =	sadd.s32 s0, s3;
	s0 =	sld [smem:$0x3FAD]  }
0x30: {  	s3 =	sld [smem:$0x3FB0]  }
0x31: {  	[smem:$0x3FB9] =	sst s10  }
0x32: {  	s10 =	sld [smem:$0x3FB7];
	_ =	sdelay $0x3  }
0x33: {  	p0 =	seq.s32 s10, $0x1;
	s10 =	sld [smem:$0x3FB9];
	_ =	sdelay $0x3  }
0x34: {  	[smem:$0x3FB9] =	sst s10  }
0x35: {  	s10 =	sld [smem:$0x3FB8];
	_ =	sdelay $0x3  }
0x36: {  	p1 =	seq.s32 s10, $0x1;
	s10 =	sld [smem:$0x3FB9];
	_ =	sdelay $0x3  }
0x37: {  	[smem:$0x3FB9] =	sst s10  }
0x38: {  	s10 =	sld [smem:$0x3FBA]  }
0x39: {  	_ = 	snop;
	(pc) =	sbr.ind lr, $3  }
0x3a: {  	_ = 	snop  }
0x3b: {  	_ = 	snop  }
0x3c: {  	p2 =	seq.s32 s10, $0x1;
	s10 =	sld [smem:$0x3FB9]  }
0x3d: {  	_ =	shalt  }
0x3e: {  	_ =	shalt  }
0x3f: {  	_ =	shalt  }
0x40: {  	_ =	shalt  }
0x41: {  	_ =	shalt  }
0x42: {  	_ =	shalt  }
0x43: {  	_ =	shalt  }
0x44: {  	_ =	shalt  }
0x45: {  	_ =	shalt  }
0x46: {  	_ =	shalt  }
0x47: {  	_ =	shalt  }
0x48: {  	_ =	shalt  }
0x49: {  	_ =	shalt  }
0x4a: {  	_ =	shalt  }
0x4b: {  	_ =	shalt  }
0x4c: {  	_ =	shalt  }
0x4d: {  	_ =	shalt  }
0x4e: {  	_ =	shalt  }
0x4f: {  	_ =	shalt  }
0x50: {  	_ =	shalt  }
0x51: {  	_ =	shalt  }
0x52: {  	_ =	shalt  }
0x53: {  	_ =	shalt  }
0x54: {  	_ =	shalt  }
0x55: {  	_ =	shalt  }
0x56: {  	_ =	shalt  }
0x57: {  	_ =	shalt  }
0x58: {  	_ =	shalt  }
0x59: {  	_ =	shalt  }
0x5a: {  	_ =	shalt  }
0x5b: {  	_ =	shalt  }
0x5c: {  	_ =	shalt  }
0x5d: {  	_ =	shalt  }
0x5e: {  	_ =	shalt  }
0x5f: {  	_ =	shalt  }
0x60: {  	_ =	shalt  }
0x61: {  	_ =	shalt  }
0x62: {  	_ =	shalt  }
0x63: {  	_ =	shalt  }
0x64: {  	_ =	shalt  }
0x65: {  	_ =	shalt  }
0x66: {  	_ =	shalt  }
0x67: {  	_ =	shalt  }
0x68: {  	_ =	shalt  }
0x69: {  	_ =	shalt  }
0x6a: {  	_ =	shalt  }
0x6b: {  	_ =	shalt  }
0x6c: {  	_ =	shalt  }
0x6d: {  	_ =	shalt  }
0x6e: {  	_ =	shalt  }
0x6f: {  	_ =	shalt  }
0x70: {  	_ =	shalt  }
0x71: {  	_ =	shalt  }
0x72: {  	_ =	shalt  }
0x73: {  	_ =	shalt  }
0x74: {  	_ =	shalt  }
0x75: {  	_ =	shalt  }
0x76: {  	_ =	shalt  }
0x77: {  	_ =	shalt  }
0x78: {  	_ =	shalt  }
0x79: {  	_ =	shalt  }
0x7a: {  	_ =	shalt  }
0x7b: {  	_ =	shalt  }
0x7c: {  	_ =	shalt  }
0x7d: {  	_ =	shalt  }
0x7e: {  	_ =	shalt  }
0x7f: {  	_ =	shalt  }
0x80: {  	_ =	shalt  }
0x81: {  	_ =	shalt  }
0x82: {  	_ =	shalt  }
0x83: {  	_ =	shalt  }
0x84: {  	_ =	shalt  }
0x85: {  	_ =	shalt  }
0x86: {  	_ =	shalt  }
0x87: {  	_ =	shalt  }
.Lfunc_end0:
.L_simem_size_0:
called_computation_lowered:
.L_overlay_start_0:
0x88: {  	s2 =	sld [smem:$0x3FD9]  }
0x89: {  	s3 =	sld [smem:$0x3FFE];
	_ =	sdelay $0x1  }
0x8a: {  	s1 =	srdreg.scid  }
0x8b: {  	s0 =	sand.u32 $0x1, s1  }
0x8c: {  	s17 =	sshll.u32 s0, $0xA;
	s2 =	sadd.s32 s3, s2  }
0x8d: {  	s2 =	sadd.s32 s2, s17  }
0x8e: {  	[smem:$0x3FC5] =	sst s2  }
0x8f: {  	_ = 	snop  }
0x90: {  	s2 =	sld [smem:$0x3FC8];
	(tm) =	ssettm $0x1  }
0x91: {  	s18 =	sld [smem:$0x3FFB];
	_ =	sdelay $0x3  }
0x92: {  	_ =	strace s18  }
0x93: {  	s3 =	sld [smem:$0x3FFC];
	_ =	sdelay $0x3  }
0x94: {  	_ =	strace s3  }
0x95: {  	s3 =	sld [smem:$0x3FFD];
	_ =	sdelay $0x3  }
0x96: {  	_ =	strace s3  }
0x97: {  	_ =	strace $0x8FFFFFFF  }
0x98: {  	s19 =	sld [smem:$0x3FDB];
	_ =	sdelay $0x1  }
0x99: {  	s4 =	simm.s32 $_scs_section_size  }
0x9a: {  	s5 =	simm.s32 $_size__tile_overlayer_lowered;
	s6 =	simm.s32 $_tile_overlayer_lowered  }
0x9b: {  	s22 =	simm.s32 $0x1BFF;
	s21 =	sshll.u32 s6, $0x1;
	s3 =	sadd.s32 s4, s19  }
0x9c: {  	s7 =	simm.s32 $0x0;
	s20 =	sshll.u32 s5, $0x1;
	s5 =	sadd.s32 s21, s3  }
0x9d: {  	[timem:s7], [sflag:s22] =	dma.local [hbm:s5], s20  }
0x9e: {  	_ =	swait.ge [sflag:s22], s20  }
0x9f: {  	s4 =	ssub.s32 $0x0, s20;
	[sflag:s22] =	ssyncset.done $0x0  }
0xa0: {  	[sflag:s22] =	ssyncadd.s32 s4;
	_ =	sdelay $0x1  }
0xa1: {  	s23 =	simm.s32 $0x1B8B  }
0xa2: {  	_ =	swait.ge [sflag:s23], $0x1  }
0xa3: {  	[sflag:s23] =	ssyncset.done $0x0  }
0xa4: {  	s25 =	simm.s32 $0x1B8E;
	s24 =	sld [smem:$0x3FFE];
	[sflag:s23] =	ssyncadd.s32 $0xFFFFFFFF  }
0xa5: {  	s26 =	simm.s32 $execute0_lowered;
	[smem:$0x3FD2] =	sst s25  }
0xa6: {  	s5 =	sshll.u32 s26, $0x1;
	_ =	strace $0x80000046;
	[dreg:$0x1] =	wrdreg $0xFFFFFFFF  }
0xa7: {  	s28 =	simm.s32 $_size_execute0_lowered;
	s3 =	sadd.s32 s3, s5;
	[dreg:$0x0] =	wrdreg $0x0  }
0xa8: {  	s5 =	sshll.u32 s28, $0x1;
	[dreg:$0x2] =	wrdreg s3  }
0xa9: {  	[dreg:$0x3] =	wrdreg s5  }
0xaa: {  	[dreg:$0x4] =	wrdreg $0xC0  }
0xab: {  	_ =	task [dreg:s7], $0x5FFFF  }
0xac: {  	[dreg:$0x1] =	wrdreg $0xFFFFFFFF  }
0xad: {  	[dreg:$0x0] =	wrdreg $0x60  }
0xae: {  	[dreg:$0x2] =	wrdreg s24  }
0xaf: {  	[dreg:$0x3] =	wrdreg s2  }
0xb0: {  	[dreg:$0x4] =	wrdreg $0x9  }
0xb1: {  	_ =	task.clear_ibuf [dreg:s7], $0x5FFFF;
	_ =	strace $0x90000046  }
0xb2: {  	s29 =	simm.s32 $0x9;
	_ =	strace $0x80000048  }
0xb3: {  	_ =	swait.ge [sflag:s29], $0x1  }
0xb4: {  	[sflag:s29] =	ssyncadd.s32 $0xFFFFFFFF  }
0xb5: {  	_ =	strace $0x90000048  }
0xb6: {  	_ =	sfence  }
0xb7: {  	s30 =	sld [smem:$0x0];
	_ =	sdelay $0x2  }
0xb8: {  	s31 =	sshll.u32 s1, $0xD;
	s1 =	sshrl.u32 s1, $0x2  }
0xb9: {  	s3 =	sand.u32 $0x4000, s31;
	s1 =	sadd.s32 s1, s30  }
0xba: {  	s0 =	sor.u32 s3, s0;
	s1 =	sshll.u32 s1, $0x11  }
0xbb: {  	s0 =	sor.u32 s1, s0  }
0xbc: {  	s0 =	sadd.s32 $0x8F2B, s0  }
0xbd: {  	[sflag:s0] =	ssyncadd.remote.s32 $0x1  }
0xbe: {  	_ =	sfence.sel $0xFFFF  }
0xbf: {  	[dreg:$0x0] =	wrdreg $0xFFFFFFFF;
	(pc) =	sbr.abs _section_cstart, $3  }
0xc0: {  	[dreg:$0x1] =	wrdreg $0xFFFFFFFF  }
0xc1: {  	_ =	task.clear_ibuf [dreg:s7], $0x2FFFF;
	_ =	strace $0x9FFFFFFF  }
0xc2: {  	(tm) =	ssettm $0x7FFFFFFF  }
0xc3: {  	_ =	shalt  }
tec
execute0_lowered:
.L_overlay_start_1:
0x0: {  	(tag) =	ssettag $0x1  }
0x1: {  	s4 =	rddreg [dreg:$0x0]  }
0x2: {  	s5 =	rddreg [dreg:$0x1]  }
0x3: {  	s0 =	rddreg [dreg:$0x2]  }
0x4: {  	s3 =	srdreg.scid;
	s1 =	stileid.u32;
	s2 =	simm.s32 $0x0  }
0x5: {  	s11 =	simm.s32 $0x2200;
	s12 =	simm.s32 $0x100;
	s13 =	simm.s32 $0x4200  }
0x6: {  	s14 =	simm.s32 $0x180;
	s15 =	simm.s32 $0x6200;
	s16 =	simm.s32 $0x8200  }
0x7: {  	s17 =	simm.s32 $0x1;
	s18 =	simm.s32 $0x10200;
	s19 =	simm.s32 $0x0  }
0x8: {  	s6 =	sand.u32 $0x1, s3;
	s31 =	sshll.u32 s1, $0x1;
	[smem:$0x7FF] =	sst s2  }
0x9: {  	s7 =	sor.u32 s6, s31;
	_ =	strace $0x80000047;
	s6 =	ssub.s32 $0x2, s6  }
0xa: {  	s3 =	sshll.u32 s7, $0xC;
	s9 =	sshll.u32 s7, $0x1;
	s10 =	sshrl.u32 s6, $0x1  }
0xb: {  	s7 =	sshll.u32 s7, $0x6;
	s8 =	sadd.s32 s3, s4;
	s3 =	sadd.s32 $0x186C00, s4  }
0xc: {  	s9 =	sadd.s32 s9, s4;
	s10 =	ssub.s32 s6, s10;
	s4 =	sadd.s32 s5, s7  }
0xd: {  	s5 =	sadd.s32 $0x200, s8;
	s6 =	sadd.s32 $0x20200, s9;
	s7 =	smax.u32 s10, $0x1  }
0xe: {  	s8 =	simm.s32 $0x2;
	s9 =	simm.s32 $0x80;
	s10 =	simm.s32 $0x200  }
.LBB2_1:
0xf: {  	[tilespmem:s2], [sflag:$0x2] =	stream.linear.gather [hbm4b:s4+s2], $0x200, $0x38;
	[tilespmem:$0x10210] =	vst v63  }
0x10: {  	_ =	swait.ge [sflag:s8], $0x200  }
0x11: {  	[sflag:s8] =	ssyncset.done $0x0  }
0x12: {  	[sflag:s8] =	ssyncadd.s32 $0xFFFFFE00  }
0x13: {  	[tilespmem:s10], [sflag:$0x1] =	stream.indirect.gather [hbm4b:s3+s9], $0x40, s2, s9, $0xb8;
	[tilespmem:$0x10210] =	vst v63  }
0x14: {  	_ = 	snop  }
0x15: {  	[tilespmem:s11], [sflag:$0x1] =	stream.indirect.gather [hbm4b:s3+s9], $0x40, s9, s9, $0xb8;
	[tilespmem:$0x10210] =	vst v63  }
0x16: {  	_ = 	snop  }
0x17: {  	[tilespmem:s13], [sflag:$0x1] =	stream.indirect.gather [hbm4b:s3+s9], $0x40, s12, s9, $0xb8;
	[tilespmem:$0x10210] =	vst v63  }
0x18: {  	_ = 	snop  }
0x19: {  	[tilespmem:s15], [sflag:$0x1] =	stream.indirect.gather [hbm4b:s3+s9], $0x40, s14, s9, $0xb8;
	[tilespmem:$0x10210] =	vst v63  }
0x1a: {  	_ = 	snop  }
0x1b: {  	[tilespmem:s16], [sflag:$0x2] =	stream.linear.gather [hbm4b:s5+s2], $0x8000, $0x38;
	[tilespmem:$0x10210] =	vst v63  }
0x1c: {  	_ =	swait.ge [sflag:s8], $0x8000  }
0x1d: {  	[sflag:s8] =	ssyncset.done $0x0  }
0x1e: {  	[sflag:s8] =	ssyncadd.s32 $0xFFFF8000  }
0x1f: {  	_ =	swait.ge [sflag:s17], $0x2000  }
0x20: {  	[sflag:s17] =	ssyncset.done $0x0  }
0x21: {  	[sflag:s17] =	ssyncadd.s32 $0xFFFFE000  }
0x22: {  	_ =	swait.ge [sflag:s17], $0x2000  }
0x23: {  	[sflag:s17] =	ssyncset.done $0x0  }
0x24: {  	[sflag:s17] =	ssyncadd.s32 $0xFFFFE000  }
0x25: {  	_ =	swait.ge [sflag:s17], $0x2000  }
0x26: {  	[sflag:s17] =	ssyncset.done $0x0  }
0x27: {  	[sflag:s17] =	ssyncadd.s32 $0xFFFFE000  }
0x28: {  	_ =	swait.ge [sflag:s17], $0x2000  }
0x29: {  	[sflag:s17] =	ssyncset.done $0x0  }
0x2a: {  	s21 =	simm.s32 $0x0;
	[sflag:s17] =	ssyncadd.s32 $0xFFFFE000  }
0x2b: {  	v0 =	vld [tilespmem:s21+$0x200]  }
0x2c: {  	v2 =	vld [tilespmem:s21+$0x8200]  }
0x2d: {  	v7 =	vld [tilespmem:s21+$0x210]  }
0x2e: {  	v8 =	vld [tilespmem:s21+$0x8210]  }
0x2f: {  	v1 =	vld [tilespmem:s21+$0x220]  }
0x30: {  	v4 =	vld [tilespmem:s21+$0x8220]  }
0x31: {  	v3 =	vld [tilespmem:s21+$0x8230];
	v6 =	vsub.f32 v0, v2  }
0x32: {  	s20 =	simm.s32 $0x40;
	v0 =	vld [tilespmem:s21+$0x230]  }
0x33: {  	v5 =	vimm.f32 $0.0e+00;
	v2 =	vld [tilespmem:s20+$0x200];
	s21 =	simm.s32 $0x200;
	v7 =	vsub.f32 v7, v8;
	v6 =	vmul.f32 v6, v6  }
.LBB2_2:
0x34: {  	p0 =	sne.s32 s21, $0x1FF00;
	v8 =	vld [tilespmem:s20+$0x8200]  }
0x35: {  	v9 =	vld [tilespmem:s20+$0x210];
	v5 =	vadd.f32 v6, v5;
	v6 =	vmul.f32 v7, v7;
	v4 =	vsub.f32 v1, v4  }
0x36: {  	v7 =	vld [tilespmem:s20+$0x8210]  }
.Ltmp0:
0x37: {  	v1 =	vld [tilespmem:s20+$0x220];
	v5 =	vadd.f32 v6, v5;
	v6 =	vmul.f32 v4, v4;
	v3 =	vsub.f32 v0, v3;
	(pc) =	sbr.rel @p0 .LBB2_2-.Ltmp0, $4  }
0x38: {  	v4 =	vld [tilespmem:s20+$0x8220]  }
0x39: {  	v8 =	vsub.f32 v2, v8;
	v0 =	vld [tilespmem:s20+$0x230];
	v5 =	vadd.f32 v6, v5;
	v10 =	vmul.f32 v3, v3  }
0x3a: {  	v3 =	vld [tilespmem:s20+$0x8230];
	s20 =	sshra.s32 s21, $0x2  }
0x3b: {  	s21 =	sadd.s32 $0x100, s21;
	v2 =	vld [tilespmem:s20+$0x200];
	v6 =	vmul.f32 v8, v8;
	v7 =	vsub.f32 v9, v7;
	v5 =	vadd.f32 v10, v5  }
0x3c: {  	v8 =	vld [tilespmem:s20+$0x8200]  }
0x3d: {  	v9 =	vld [tilespmem:s20+$0x210];
	v5 =	vadd.f32 v6, v5;
	v53 =	vmul.f32 v7, v7;
	v1 =	vsub.f32 v1, v4  }
0x3e: {  	v54 =	vld [tilespmem:s20+$0x8210]  }
0x3f: {  	v55 =	vld [tilespmem:s20+$0x220];
	v5 =	vadd.f32 v53, v5;
	v1 =	vmul.f32 v1, v1;
	v0 =	vsub.f32 v0, v3  }
0x40: {  	v56 =	vld [tilespmem:s20+$0x8220]  }
0x41: {  	v57 =	vld [tilespmem:s20+$0x230];
	v2 =	vsub.f32 v2, v8;
	v1 =	vadd.f32 v1, v5;
	v0 =	vmul.f32 v0, v0  }
0x42: {  	v58 =	vld [tilespmem:s20+$0x8230]  }
0x43: {  	v4 =	vsub.f32 v9, v54;
	v2 =	vmul.f32 v2, v2;
	v0 =	vadd.f32 v0, v1;
	_ =	sdelay $0x1  }
0x44: {  	v60 =	vsub.f32 v55, v56;
	v59 =	vmul.f32 v4, v4;
	v0 =	vadd.f32 v2, v0;
	_ =	sdelay $0x1  }
0x45: {  	v62 =	vsub.f32 v57, v58;
	v61 =	vmul.f32 v60, v60;
	v0 =	vadd.f32 v59, v0;
	_ =	sdelay $0x1  }
0x46: {  	v63 =	vmul.f32 v62, v62;
	v0 =	vadd.f32 v61, v0;
	_ =	sdelay $0x1  }
0x47: {  	s19 =	sadd.s32 $0x1, s19;
	v0 =	vadd.f32 v63, v0  }
0x48: {  	p0 =	sne.s32 s19, s7  }
.Ltmp1:
0x49: {  	[tilespmem:$0x10200] =	vst v0;
	(pc) =	sbr.rel @p0 .LBB2_1-.Ltmp1, $4  }
0x4a: {  	[hbm4b:s6+s2] =	stream.linear.scatter [tilespmem:s18], [sflag:$0x2], $0x10, $0x38;
	[tilespmem:$0x10210] =	vst v63  }
0x4b: {  	_ =	swait.ge [sflag:s8], $0x10  }
0x4c: {  	[sflag:s8] =	ssyncset.done $0x0  }
0x4d: {  	[sflag:s8] =	ssyncadd.s32 $0xFFFFFFF0  }
0x4e: {  	_ =	sfence.sel $0x180000  }
0x4f: {  	[bflag:$0x0] =	sbarrier.arrive $0xFFFF  }
0x50: {  	p0 =	sne.s32 s1, $0x0;
	_ =	strace $0x90000047  }
0x51: {  	s0 =	sadd.s32 @!p0 $0x100000, s0;
	[bflag:$0x2] =	sbarrier.arrive $0xFFFF  }
0x52: {  	[sflag:s0] =	ssyncadd.tile.s32 @!p0 $0x1;
	_ =	shalt  }
.Lfunc_end2:
_tile_overlayer_lowered:
.L_overlay_start_2:
0x53: {  	(tag) =	ssettag $0x2  }
0x54: {  	s0 =	rddreg [dreg:$0x0];
	s2 =	stileid.u32  }
0x55: {  	s1 =	rddreg [dreg:$0x1];
	p0 =	sne.s32 s2, $0x0  }
0x56: {  	s3 =	rddreg [dreg:$0x2];
	[bflag:$0x3] =	sbarrier.arrive $0xFFFF;
	s2 =	simm.s32 @!p0 $0x1C02  }
0x57: {  	[timem:s3], [sflag:s2] =	dma.local @!p0 [hbm:s0], s1  }
0x58: {  	s0 =	simm.s32 @!p0 $0x2  }
0x59: {  	_ =	swait.ge @!p0 [sflag:s0], s1  }
0x5a: {  	s1 =	ssub.s32 @!p0 $0x0, s1;
	[sflag:s0] =	ssyncset.done @!p0 $0x0  }
0x5b: {  	[sflag:s0] =	ssyncadd.s32 @!p0 s1  }
0x5c: {  	[bflag:$0x3] =	sbarrier.arrive $0xFFFF  }
0x5d: {  	_ =	shalt  }

</sc_bundles>
